<compile_context>
chip_gen: v7x
topology: tpu7x:2x2x1
jax: 0.10.2.dev20260603
libtpu: 0.0.44.dev20260713+nightly
codegen_flags: <defaults>
</compile_context>

<pallas_src>
import functools

import jax
import jax.numpy as jnp
from jax import lax
from jax.experimental import pallas as pl
from jax.experimental.pallas import tpu as pltpu
from jax.experimental.pallas import tpu_sc as plsc

N_NODES = 10000
N_EDGES = 320000
D = 128

NC = 2
NS = 16
NW = NC * NS

E_PER_TILE = N_EDGES // NW
E_CHK = 40
N_RING = 5
N_CHK = E_PER_TILE // E_CHK
N_PAD = 10240
ROWS_PER_TILE = N_PAD // NS

@functools.lru_cache(maxsize=1)
def _make_sc_aggregate():
    mesh = plsc.VectorSubcoreMesh(core_axis_name="c", subcore_axis_name="s")

    @functools.partial(
        pl.kernel,
        mesh=mesh,
        out_type=jax.ShapeDtypeStruct((NC * N_PAD, D), jnp.float32),
        scratch_types=[
            pltpu.VMEM((E_PER_TILE,), jnp.int32),
            pltpu.VMEM((E_PER_TILE,), jnp.int32),
            *[pltpu.VMEM((E_CHK, D), jnp.float32) for _ in range(N_RING)],
            pltpu.VMEM_SHARED((N_PAD, D), jnp.float32),
            *[pltpu.SemaphoreType.DMA for _ in range(N_RING)],
        ],
    )
    def _sc_aggregate(edges_hbm, x_hbm, zeros_hbm, out_hbm,
                      sidx, didx, *rest):
        rows = rest[:N_RING]
        acc = rest[N_RING]
        sems = rest[N_RING + 1:]
        c = lax.axis_index("c")
        s = lax.axis_index("s")
        tile = s * NC + c
        row0 = s * ROWS_PER_TILE
        edge0 = tile * E_PER_TILE

        pltpu.sync_copy(edges_hbm.at[pl.ds(edge0, E_PER_TILE)], sidx)
        pltpu.sync_copy(edges_hbm.at[pl.ds(N_EDGES + edge0, E_PER_TILE)], didx)
        pltpu.sync_copy(zeros_hbm, acc.at[pl.ds(row0, ROWS_PER_TILE)])
        plsc.subcore_barrier()

        def gather_start(chk, buf, sem):
            pltpu.async_copy(
                x_hbm.at[sidx.at[pl.ds(chk * E_CHK, E_CHK)]], buf, sem)

        def gather_wait(chk, buf, sem):
            pltpu.make_async_copy(
                x_hbm.at[sidx.at[pl.ds(chk * E_CHK, E_CHK)]], buf, sem).wait()

        def scatter(chk, buf):
            pltpu.sync_copy(buf, acc.at[didx.at[pl.ds(chk * E_CHK, E_CHK)]],
                            add=True)

        for b in range(N_RING):
            gather_start(b, rows[b], sems[b])

        def step(j, carry):
            a = N_RING * j
            for b in range(N_RING):
                gather_wait(a + b, rows[b], sems[b])
                scatter(a + b, rows[b])

                @pl.when(j < N_CHK // N_RING - 1)
                def _(b=b):
                    gather_start(a + b + N_RING, rows[b], sems[b])

            return carry

        lax.fori_loop(0, N_CHK // N_RING, step, 0)

        plsc.subcore_barrier()
        pltpu.sync_copy(acc.at[pl.ds(row0, ROWS_PER_TILE)],
                        out_hbm.at[pl.ds(c * N_PAD + row0, ROWS_PER_TILE)])

    return _sc_aggregate


def _tc_body(x_ref, p0_ref, p1_ref, wr_ref, wn_ref, b_ref, o_ref):
    agg = p0_ref[...] + p1_ref[...]
    o = jnp.dot(x_ref[...], wr_ref[...], preferred_element_type=jnp.float32)
    o += jnp.dot(agg, wn_ref[...], preferred_element_type=jnp.float32)
    o += b_ref[...]
    o_ref[...] = jnp.maximum(o, 0.0)


_BLK = 1280
_NBLK = N_PAD // _BLK


def kernel(x, edge_index, W_root, W_nbr, b):
    edges = edge_index.astype(jnp.int32).reshape(-1)
    zeros = jnp.zeros((ROWS_PER_TILE, D), jnp.float32)

    partials = _make_sc_aggregate()(edges, x, zeros)

    out = pl.pallas_call(
        _tc_body,
        grid=(_NBLK,),
        in_specs=[
            pl.BlockSpec((_BLK, D), lambda i: (i, 0)),
            pl.BlockSpec((_BLK, D), lambda i: (i, 0)),
            pl.BlockSpec((_BLK, D), lambda i: (i + _NBLK, 0)),
            pl.BlockSpec((D, D), lambda i: (0, 0)),
            pl.BlockSpec((D, D), lambda i: (0, 0)),
            pl.BlockSpec((1, D), lambda i: (0, 0)),
        ],
        out_specs=pl.BlockSpec((_BLK, D), lambda i: (i, 0)),
        out_shape=jax.ShapeDtypeStruct((N_NODES, D), jnp.float32),
    )(x, partials, partials, W_root, W_nbr, b.reshape(1, D))
    return out

# --- scband reference (transcript-rebuilt; emitter-appended) ---
"""Pipeline reference for scband-graph-conv-block-45200235823724 (READ-ONLY COPY).

The authoritative reference and input builder live on the scoring server;
editing this copy changes nothing except your own understanding.
"""

import jax, jax.numpy as jnp
import numpy as np

N_NODES = 10000
N_EDGES = 320000
D_IN = 128
D_OUT = 128


def setup_inputs(seed: int = 0) -> dict:
    key = jax.random.key(seed)
    k_x, k_ei, k_wr, k_wn, k_b = jax.random.split(key, 5)
    x = jax.random.normal(k_x, (N_NODES, D_IN), dtype=jnp.float32)
    edge_index = jax.random.randint(k_ei, (2, N_EDGES), 0, N_NODES, dtype=jnp.int64)
    # GraphConv (PyG-style) params: root weight, neighbor weight, bias
    scale = 1.0 / np.sqrt(D_IN)
    W_root = jax.random.uniform(k_wr, (D_IN, D_OUT), dtype=jnp.float32, minval=-scale, maxval=scale)
    W_nbr = jax.random.uniform(k_wn, (D_IN, D_OUT), dtype=jnp.float32, minval=-scale, maxval=scale)
    b = jax.random.uniform(k_b, (D_OUT,), dtype=jnp.float32, minval=-scale, maxval=scale)
    return {"x": x, "edge_index": edge_index, "W_root": W_root, "W_nbr": W_nbr, "b": b}


def reference(x, edge_index, W_root, W_nbr, b):
    # GraphConv with sum aggregation:
    #   out_i = W_root @ x_i + sum_{j in N(i)} W_nbr @ x_j + b
    src = edge_index[0]
    dst = edge_index[1]
    msg = jnp.take(x, src, axis=0) @ W_nbr               # gather + matmul
    agg = jax.ops.segment_sum(msg, dst, num_segments=x.shape[0])  # scatter-add
    out = x @ W_root + agg + b
    out = jax.nn.relu(out)
    # dropout_rate = DropoutRate.NONE (p=0.0) -> identity; eval mode also identity
    return out

if __name__ == "__main__":
    import jax
    _d = setup_inputs()
    print(jax.jit(kernel)(*tuple(_d.values())))

</pallas_src>

<mosaic_0001>
#map = affine_map<(d0, d1) -> (0)>
#map1 = affine_map<(d0, d1) -> (0, 0)>
module attributes {stable_mosaic.version = 14 : i64} {
  func.func @_sc_aggregate(%arg0: i32, %arg1: i32, %arg2: memref<640000xi32, #tpu.memory_space<hbm>>, %arg3: memref<10000x128xf32, #tpu.memory_space<hbm>>, %arg4: memref<640x128xf32, #tpu.memory_space<hbm>>, %arg5: memref<20480x128xf32, #tpu.memory_space<hbm>>, %arg6: memref<10000xi32, #tpu.memory_space<vmem>>, %arg7: memref<10000xi32, #tpu.memory_space<vmem>>, %arg8: memref<40x128xf32, #tpu.memory_space<vmem>>, %arg9: memref<40x128xf32, #tpu.memory_space<vmem>>, %arg10: memref<40x128xf32, #tpu.memory_space<vmem>>, %arg11: memref<40x128xf32, #tpu.memory_space<vmem>>, %arg12: memref<40x128xf32, #tpu.memory_space<vmem>>, %arg13: memref<10240x128xf32, #tpu.memory_space<vmem_shared>>, %arg14: memref<!tpu.dma_semaphore, #tpu.memory_space<semaphore_mem>>, %arg15: memref<!tpu.dma_semaphore, #tpu.memory_space<semaphore_mem>>, %arg16: memref<!tpu.dma_semaphore, #tpu.memory_space<semaphore_mem>>, %arg17: memref<!tpu.dma_semaphore, #tpu.memory_space<semaphore_mem>>, %arg18: memref<!tpu.dma_semaphore, #tpu.memory_space<semaphore_mem>>) attributes {dimension_semantics = [#tpu.dimension_semantics<core_parallel>, #tpu.dimension_semantics<subcore_parallel>], iteration_bounds = array<i64: 2, 16>, scalar_prefetch = 0 : i64, scratch_operands = 13 : i64, tpu.core_type = #tpu.core_type<sc_vector_subcore>, window_params = [{transform_indices = #map}, {transform_indices = #map1}, {transform_indices = #map1}, {transform_indices = #map1}]} {
    %mul3A = arith.constant 2 : i32
    %mul3A_0 = arith.muli %arg1, %mul3A : i32
    %add3A = arith.addi %mul3A_0, %arg0 : i32
    %mul3A_1 = arith.constant 640 : i32
    %mul3A_2 = arith.muli %arg1, %mul3A_1 : i32
    %mul3A_3 = arith.constant 10000 : i32
    %mul3A_4 = arith.muli %add3A, %mul3A_3 : i32
    "tpu.region"() ({
      %run_scoped3A = tpu.sem_alloc : memref<!tpu.dma_semaphore, #tpu.memory_space<semaphore_mem>>
      %dma_start3A_40 = tpu.memref_slice %arg2[%mul3A_4] : memref<640000xi32, #tpu.memory_space<hbm>> -> memref<10000xi32, #tpu.memory_space<hbm>>
      %dma_start3A_41 = tpu.memref_slice %arg2[%mul3A_4] : memref<640000xi32, #tpu.memory_space<hbm>> -> memref<10000xi32, #tpu.memory_space<hbm>>
      tpu.enqueue_dma source(%dma_start3A_41 : memref<10000xi32, #tpu.memory_space<hbm>>) target(%arg6 : memref<10000xi32, #tpu.memory_space<vmem>>) target_semaphore(%run_scoped3A : memref<!tpu.dma_semaphore, #tpu.memory_space<semaphore_mem>>)
      %dma_wait3A = tpu.memref_slice %arg2[%mul3A_4] : memref<640000xi32, #tpu.memory_space<hbm>> -> memref<10000xi32, #tpu.memory_space<hbm>>
      %dma_wait3A_42 = tpu.memref_slice %arg2[%mul3A_4] : memref<640000xi32, #tpu.memory_space<hbm>> -> memref<10000xi32, #tpu.memory_space<hbm>>
      tpu.wait_dma2 semaphore(%run_scoped3A : memref<!tpu.dma_semaphore, #tpu.memory_space<semaphore_mem>>) src(%dma_wait3A_42 : memref<10000xi32, #tpu.memory_space<hbm>>) dst(%arg6 : memref<10000xi32, #tpu.memory_space<vmem>>)
      tpu.yield
    }) : () -> ()
    %add3A_5 = arith.constant 320000 : i32
    %add3A_6 = arith.addi %add3A_5, %mul3A_4 : i32
    "tpu.region"() ({
      %run_scoped3A = tpu.sem_alloc : memref<!tpu.dma_semaphore, #tpu.memory_space<semaphore_mem>>
      %dma_start3A_40 = tpu.memref_slice %arg2[%add3A_6] : memref<640000xi32, #tpu.memory_space<hbm>> -> memref<10000xi32, #tpu.memory_space<hbm>>
      %dma_start3A_41 = tpu.memref_slice %arg2[%add3A_6] : memref<640000xi32, #tpu.memory_space<hbm>> -> memref<10000xi32, #tpu.memory_space<hbm>>
      tpu.enqueue_dma source(%dma_start3A_41 : memref<10000xi32, #tpu.memory_space<hbm>>) target(%arg7 : memref<10000xi32, #tpu.memory_space<vmem>>) target_semaphore(%run_scoped3A : memref<!tpu.dma_semaphore, #tpu.memory_space<semaphore_mem>>)
      %dma_wait3A = tpu.memref_slice %arg2[%add3A_6] : memref<640000xi32, #tpu.memory_space<hbm>> -> memref<10000xi32, #tpu.memory_space<hbm>>
      %dma_wait3A_42 = tpu.memref_slice %arg2[%add3A_6] : memref<640000xi32, #tpu.memory_space<hbm>> -> memref<10000xi32, #tpu.memory_space<hbm>>
      tpu.wait_dma2 semaphore(%run_scoped3A : memref<!tpu.dma_semaphore, #tpu.memory_space<semaphore_mem>>) src(%dma_wait3A_42 : memref<10000xi32, #tpu.memory_space<hbm>>) dst(%arg7 : memref<10000xi32, #tpu.memory_space<vmem>>)
      tpu.yield
    }) : () -> ()
    "tpu.region"() ({
      %run_scoped3A = tpu.sem_alloc : memref<!tpu.dma_semaphore, #tpu.memory_space<semaphore_mem>>
      %dma_start3A_40 = arith.constant 0 : i32
      %dma_start3A_41 = tpu.memref_slice %arg13[%mul3A_2, %dma_start3A_40] : memref<10240x128xf32, #tpu.memory_space<vmem_shared>> -> memref<640x128xf32, #tpu.memory_space<vmem_shared>>
      tpu.enqueue_dma source(%arg4 : memref<640x128xf32, #tpu.memory_space<hbm>>) target(%dma_start3A_41 : memref<640x128xf32, #tpu.memory_space<vmem_shared>>) target_semaphore(%run_scoped3A : memref<!tpu.dma_semaphore, #tpu.memory_space<semaphore_mem>>)
      %dma_wait3A = arith.constant 0 : i32
      %dma_wait3A_42 = tpu.memref_slice %arg13[%mul3A_2, %dma_wait3A] : memref<10240x128xf32, #tpu.memory_space<vmem_shared>> -> memref<640x128xf32, #tpu.memory_space<vmem_shared>>
      tpu.wait_dma2 semaphore(%run_scoped3A : memref<!tpu.dma_semaphore, #tpu.memory_space<semaphore_mem>>) src(%arg4 : memref<640x128xf32, #tpu.memory_space<hbm>>) dst(%dma_wait3A_42 : memref<640x128xf32, #tpu.memory_space<vmem_shared>>)
      tpu.yield
    }) : () -> ()
    %barrier3A = arith.constant 0 : index
    tpu.barrier barrier_id(%barrier3A)
    %dma_start3A = arith.constant 0 : i32
    %dma_start3A_7 = tpu.memref_slice %arg6[%dma_start3A] : memref<10000xi32, #tpu.memory_space<vmem>> -> memref<40xi32, #tpu.memory_space<vmem>>
    %dma_start3A_8 = arith.constant 0 : i32
    %dma_start3A_9 = arith.constant 0 : i32
    %dma_start3A_10 = tpu.memref_slice %arg3[%dma_start3A_8, %dma_start3A_9] : memref<10000x128xf32, #tpu.memory_space<hbm>> -> memref<10000x128xf32, #tpu.memory_space<hbm>>
    tpu.enqueue_indirect_dma source(%dma_start3A_10 : memref<10000x128xf32, #tpu.memory_space<hbm>>) target(%arg8 : memref<40x128xf32, #tpu.memory_space<vmem>>) offsets(%dma_start3A_7 : memref<40xi32, #tpu.memory_space<vmem>>) semaphore(%arg14 : memref<!tpu.dma_semaphore, #tpu.memory_space<semaphore_mem>>)
    %dma_start3A_11 = arith.constant 40 : i32
    %dma_start3A_12 = tpu.memref_slice %arg6[%dma_start3A_11] : memref<10000xi32, #tpu.memory_space<vmem>> -> memref<40xi32, #tpu.memory_space<vmem>>
    %dma_start3A_13 = arith.constant 0 : i32
    %dma_start3A_14 = arith.constant 0 : i32
    %dma_start3A_15 = tpu.memref_slice %arg3[%dma_start3A_13, %dma_start3A_14] : memref<10000x128xf32, #tpu.memory_space<hbm>> -> memref<10000x128xf32, #tpu.memory_space<hbm>>
    tpu.enqueue_indirect_dma source(%dma_start3A_15 : memref<10000x128xf32, #tpu.memory_space<hbm>>) target(%arg9 : memref<40x128xf32, #tpu.memory_space<vmem>>) offsets(%dma_start3A_12 : memref<40xi32, #tpu.memory_space<vmem>>) semaphore(%arg15 : memref<!tpu.dma_semaphore, #tpu.memory_space<semaphore_mem>>)
    %dma_start3A_16 = arith.constant 80 : i32
    %dma_start3A_17 = tpu.memref_slice %arg6[%dma_start3A_16] : memref<10000xi32, #tpu.memory_space<vmem>> -> memref<40xi32, #tpu.memory_space<vmem>>
    %dma_start3A_18 = arith.constant 0 : i32
    %dma_start3A_19 = arith.constant 0 : i32
    %dma_start3A_20 = tpu.memref_slice %arg3[%dma_start3A_18, %dma_start3A_19] : memref<10000x128xf32, #tpu.memory_space<hbm>> -> memref<10000x128xf32, #tpu.memory_space<hbm>>
    tpu.enqueue_indirect_dma source(%dma_start3A_20 : memref<10000x128xf32, #tpu.memory_space<hbm>>) target(%arg10 : memref<40x128xf32, #tpu.memory_space<vmem>>) offsets(%dma_start3A_17 : memref<40xi32, #tpu.memory_space<vmem>>) semaphore(%arg16 : memref<!tpu.dma_semaphore, #tpu.memory_space<semaphore_mem>>)
    %dma_start3A_21 = arith.constant 120 : i32
    %dma_start3A_22 = tpu.memref_slice %arg6[%dma_start3A_21] : memref<10000xi32, #tpu.memory_space<vmem>> -> memref<40xi32, #tpu.memory_space<vmem>>
    %dma_start3A_23 = arith.constant 0 : i32
    %dma_start3A_24 = arith.constant 0 : i32
    %dma_start3A_25 = tpu.memref_slice %arg3[%dma_start3A_23, %dma_start3A_24] : memref<10000x128xf32, #tpu.memory_space<hbm>> -> memref<10000x128xf32, #tpu.memory_space<hbm>>
    tpu.enqueue_indirect_dma source(%dma_start3A_25 : memref<10000x128xf32, #tpu.memory_space<hbm>>) target(%arg11 : memref<40x128xf32, #tpu.memory_space<vmem>>) offsets(%dma_start3A_22 : memref<40xi32, #tpu.memory_space<vmem>>) semaphore(%arg17 : memref<!tpu.dma_semaphore, #tpu.memory_space<semaphore_mem>>)
    %dma_start3A_26 = arith.constant 160 : i32
    %dma_start3A_27 = tpu.memref_slice %arg6[%dma_start3A_26] : memref<10000xi32, #tpu.memory_space<vmem>> -> memref<40xi32, #tpu.memory_space<vmem>>
    %dma_start3A_28 = arith.constant 0 : i32
    %dma_start3A_29 = arith.constant 0 : i32
    %dma_start3A_30 = tpu.memref_slice %arg3[%dma_start3A_28, %dma_start3A_29] : memref<10000x128xf32, #tpu.memory_space<hbm>> -> memref<10000x128xf32, #tpu.memory_space<hbm>>
    tpu.enqueue_indirect_dma source(%dma_start3A_30 : memref<10000x128xf32, #tpu.memory_space<hbm>>) target(%arg12 : memref<40x128xf32, #tpu.memory_space<vmem>>) offsets(%dma_start3A_27 : memref<40xi32, #tpu.memory_space<vmem>>) semaphore(%arg18 : memref<!tpu.dma_semaphore, #tpu.memory_space<semaphore_mem>>)
    %scan3A = arith.constant 0 : i32
    %scan3A_31 = arith.constant 0 : i32
    %scan3A_32 = arith.constant 50 : i32
    %scan3A_33 = arith.addi %scan3A_31, %scan3A_32 : i32
    %scan3A_34 = arith.constant 1 : i32
    scf.for %scan3A_40 = %scan3A_31 to %scan3A_33 step %scan3A_34  : i32 {
      %mul3A_41 = arith.constant 5 : i32
      %mul3A_42 = arith.muli %mul3A_41, %scan3A_40 : i32
      %add3A_43 = arith.constant 0 : i32
      %add3A_44 = arith.addi %mul3A_42, %add3A_43 : i32
      %mul3A_45 = arith.constant 40 : i32
      %mul3A_46 = arith.muli %add3A_44, %mul3A_45 : i32
      %dma_wait3A = tpu.memref_slice %arg6[%mul3A_46] : memref<10000xi32, #tpu.memory_space<vmem>> -> memref<40xi32, #tpu.memory_space<vmem>>
      %dma_wait3A_47 = arith.constant 0 : i32
      %dma_wait3A_48 = arith.constant 0 : i32
      %dma_wait3A_49 = tpu.memref_slice %arg3[%dma_wait3A_47, %dma_wait3A_48] : memref<10000x128xf32, #tpu.memory_space<hbm>> -> memref<10000x128xf32, #tpu.memory_space<hbm>>
      tpu.wait_indirect_dma semaphore(%arg14 : memref<!tpu.dma_semaphore, #tpu.memory_space<semaphore_mem>>) src(%dma_wait3A_49 : memref<10000x128xf32, #tpu.memory_space<hbm>>) dst(%arg8 : memref<40x128xf32, #tpu.memory_space<vmem>>)
      %add3A_50 = arith.constant 0 : i32
      %add3A_51 = arith.addi %mul3A_42, %add3A_50 : i32
      %mul3A_52 = arith.constant 40 : i32
      %mul3A_53 = arith.muli %add3A_51, %mul3A_52 : i32
      "tpu.region"() ({
        %run_scoped3A = tpu.sem_alloc : memref<!tpu.dma_semaphore, #tpu.memory_space<semaphore_mem>>
        %dma_start3A_124 = tpu.memref_slice %arg7[%mul3A_53] : memref<10000xi32, #tpu.memory_space<vmem>> -> memref<40xi32, #tpu.memory_space<vmem>>
        %dma_start3A_125 = arith.constant 0 : i32
        %dma_start3A_126 = arith.constant 0 : i32
        %dma_start3A_127 = tpu.memref_slice %arg13[%dma_start3A_125, %dma_start3A_126] : memref<10240x128xf32, #tpu.memory_space<vmem_shared>> -> memref<10240x128xf32, #tpu.memory_space<vmem_shared>>
        tpu.enqueue_indirect_dma source(%arg8 : memref<40x128xf32, #tpu.memory_space<vmem>>) target(%dma_start3A_127 : memref<10240x128xf32, #tpu.memory_space<vmem_shared>>) offsets(%dma_start3A_124 : memref<40xi32, #tpu.memory_space<vmem>>) semaphore(%run_scoped3A : memref<!tpu.dma_semaphore, #tpu.memory_space<semaphore_mem>>) {add = true}
        %dma_wait3A_128 = tpu.memref_slice %arg7[%mul3A_53] : memref<10000xi32, #tpu.memory_space<vmem>> -> memref<40xi32, #tpu.memory_space<vmem>>
        %dma_wait3A_129 = arith.constant 0 : i32
        %dma_wait3A_130 = arith.constant 0 : i32
        %dma_wait3A_131 = tpu.memref_slice %arg13[%dma_wait3A_129, %dma_wait3A_130] : memref<10240x128xf32, #tpu.memory_space<vmem_shared>> -> memref<10240x128xf32, #tpu.memory_space<vmem_shared>>
        tpu.wait_indirect_dma semaphore(%run_scoped3A : memref<!tpu.dma_semaphore, #tpu.memory_space<semaphore_mem>>) src(%arg8 : memref<40x128xf32, #tpu.memory_space<vmem>>) dst(%dma_wait3A_131 : memref<10240x128xf32, #tpu.memory_space<vmem_shared>>)
        tpu.yield
      }) : () -> ()
      %lt3A = arith.constant 49 : i32
      %lt3A_54 = arith.cmpi slt, %scan3A_40, %lt3A : i32
      %convert_element_type3A = arith.extui %lt3A_54 : i1 to i32
      %cond3A = arith.constant 0 : i32
      %cond3A_55 = arith.cmpi ne, %convert_element_type3A, %cond3A : i32
      scf.if %cond3A_55 {
        %add3A_124 = arith.constant 0 : i32
        %add3A_125 = arith.addi %mul3A_42, %add3A_124 : i32
        %add3A_126 = arith.constant 5 : i32
        %add3A_127 = arith.addi %add3A_125, %add3A_126 : i32
        %mul3A_128 = arith.constant 40 : i32
        %mul3A_129 = arith.muli %add3A_127, %mul3A_128 : i32
        %dma_start3A_130 = tpu.memref_slice %arg6[%mul3A_129] : memref<10000xi32, #tpu.memory_space<vmem>> -> memref<40xi32, #tpu.memory_space<vmem>>
        %dma_start3A_131 = arith.constant 0 : i32
        %dma_start3A_132 = arith.constant 0 : i32
        %dma_start3A_133 = tpu.memref_slice %arg3[%dma_start3A_131, %dma_start3A_132] : memref<10000x128xf32, #tpu.memory_space<hbm>> -> memref<10000x128xf32, #tpu.memory_space<hbm>>
        tpu.enqueue_indirect_dma source(%dma_start3A_133 : memref<10000x128xf32, #tpu.memory_space<hbm>>) target(%arg8 : memref<40x128xf32, #tpu.memory_space<vmem>>) offsets(%dma_start3A_130 : memref<40xi32, #tpu.memory_space<vmem>>) semaphore(%arg14 : memref<!tpu.dma_semaphore, #tpu.memory_space<semaphore_mem>>)
      } else {
      }
      %add3A_56 = arith.constant 1 : i32
      %add3A_57 = arith.addi %mul3A_42, %add3A_56 : i32
      %mul3A_58 = arith.constant 40 : i32
      %mul3A_59 = arith.muli %add3A_57, %mul3A_58 : i32
      %dma_wait3A_60 = tpu.memref_slice %arg6[%mul3A_59] : memref<10000xi32, #tpu.memory_space<vmem>> -> memref<40xi32, #tpu.memory_space<vmem>>
      %dma_wait3A_61 = arith.constant 0 : i32
      %dma_wait3A_62 = arith.constant 0 : i32
      %dma_wait3A_63 = tpu.memref_slice %arg3[%dma_wait3A_61, %dma_wait3A_62] : memref<10000x128xf32, #tpu.memory_space<hbm>> -> memref<10000x128xf32, #tpu.memory_space<hbm>>
      tpu.wait_indirect_dma semaphore(%arg15 : memref<!tpu.dma_semaphore, #tpu.memory_space<semaphore_mem>>) src(%dma_wait3A_63 : memref<10000x128xf32, #tpu.memory_space<hbm>>) dst(%arg9 : memref<40x128xf32, #tpu.memory_space<vmem>>)
      %add3A_64 = arith.constant 1 : i32
      %add3A_65 = arith.addi %mul3A_42, %add3A_64 : i32
      %mul3A_66 = arith.constant 40 : i32
      %mul3A_67 = arith.muli %add3A_65, %mul3A_66 : i32
      "tpu.region"() ({
        %run_scoped3A = tpu.sem_alloc : memref<!tpu.dma_semaphore, #tpu.memory_space<semaphore_mem>>
        %dma_start3A_124 = tpu.memref_slice %arg7[%mul3A_67] : memref<10000xi32, #tpu.memory_space<vmem>> -> memref<40xi32, #tpu.memory_space<vmem>>
        %dma_start3A_125 = arith.constant 0 : i32
        %dma_start3A_126 = arith.constant 0 : i32
        %dma_start3A_127 = tpu.memref_slice %arg13[%dma_start3A_125, %dma_start3A_126] : memref<10240x128xf32, #tpu.memory_space<vmem_shared>> -> memref<10240x128xf32, #tpu.memory_space<vmem_shared>>
        tpu.enqueue_indirect_dma source(%arg9 : memref<40x128xf32, #tpu.memory_space<vmem>>) target(%dma_start3A_127 : memref<10240x128xf32, #tpu.memory_space<vmem_shared>>) offsets(%dma_start3A_124 : memref<40xi32, #tpu.memory_space<vmem>>) semaphore(%run_scoped3A : memref<!tpu.dma_semaphore, #tpu.memory_space<semaphore_mem>>) {add = true}
        %dma_wait3A_128 = tpu.memref_slice %arg7[%mul3A_67] : memref<10000xi32, #tpu.memory_space<vmem>> -> memref<40xi32, #tpu.memory_space<vmem>>
        %dma_wait3A_129 = arith.constant 0 : i32
        %dma_wait3A_130 = arith.constant 0 : i32
        %dma_wait3A_131 = tpu.memref_slice %arg13[%dma_wait3A_129, %dma_wait3A_130] : memref<10240x128xf32, #tpu.memory_space<vmem_shared>> -> memref<10240x128xf32, #tpu.memory_space<vmem_shared>>
        tpu.wait_indirect_dma semaphore(%run_scoped3A : memref<!tpu.dma_semaphore, #tpu.memory_space<semaphore_mem>>) src(%arg9 : memref<40x128xf32, #tpu.memory_space<vmem>>) dst(%dma_wait3A_131 : memref<10240x128xf32, #tpu.memory_space<vmem_shared>>)
        tpu.yield
      }) : () -> ()
      %lt3A_68 = arith.constant 49 : i32
      %lt3A_69 = arith.cmpi slt, %scan3A_40, %lt3A_68 : i32
      %convert_element_type3A_70 = arith.extui %lt3A_69 : i1 to i32
      %cond3A_71 = arith.constant 0 : i32
      %cond3A_72 = arith.cmpi ne, %convert_element_type3A_70, %cond3A_71 : i32
      scf.if %cond3A_72 {
        %add3A_124 = arith.constant 1 : i32
        %add3A_125 = arith.addi %mul3A_42, %add3A_124 : i32
        %add3A_126 = arith.constant 5 : i32
        %add3A_127 = arith.addi %add3A_125, %add3A_126 : i32
        %mul3A_128 = arith.constant 40 : i32
        %mul3A_129 = arith.muli %add3A_127, %mul3A_128 : i32
        %dma_start3A_130 = tpu.memref_slice %arg6[%mul3A_129] : memref<10000xi32, #tpu.memory_space<vmem>> -> memref<40xi32, #tpu.memory_space<vmem>>
        %dma_start3A_131 = arith.constant 0 : i32
        %dma_start3A_132 = arith.constant 0 : i32
        %dma_start3A_133 = tpu.memref_slice %arg3[%dma_start3A_131, %dma_start3A_132] : memref<10000x128xf32, #tpu.memory_space<hbm>> -> memref<10000x128xf32, #tpu.memory_space<hbm>>
        tpu.enqueue_indirect_dma source(%dma_start3A_133 : memref<10000x128xf32, #tpu.memory_space<hbm>>) target(%arg9 : memref<40x128xf32, #tpu.memory_space<vmem>>) offsets(%dma_start3A_130 : memref<40xi32, #tpu.memory_space<vmem>>) semaphore(%arg15 : memref<!tpu.dma_semaphore, #tpu.memory_space<semaphore_mem>>)
      } else {
      }
      %add3A_73 = arith.constant 2 : i32
      %add3A_74 = arith.addi %mul3A_42, %add3A_73 : i32
      %mul3A_75 = arith.constant 40 : i32
      %mul3A_76 = arith.muli %add3A_74, %mul3A_75 : i32
      %dma_wait3A_77 = tpu.memref_slice %arg6[%mul3A_76] : memref<10000xi32, #tpu.memory_space<vmem>> -> memref<40xi32, #tpu.memory_space<vmem>>
      %dma_wait3A_78 = arith.constant 0 : i32
      %dma_wait3A_79 = arith.constant 0 : i32
      %dma_wait3A_80 = tpu.memref_slice %arg3[%dma_wait3A_78, %dma_wait3A_79] : memref<10000x128xf32, #tpu.memory_space<hbm>> -> memref<10000x128xf32, #tpu.memory_space<hbm>>
      tpu.wait_indirect_dma semaphore(%arg16 : memref<!tpu.dma_semaphore, #tpu.memory_space<semaphore_mem>>) src(%dma_wait3A_80 : memref<10000x128xf32, #tpu.memory_space<hbm>>) dst(%arg10 : memref<40x128xf32, #tpu.memory_space<vmem>>)
      %add3A_81 = arith.constant 2 : i32
      %add3A_82 = arith.addi %mul3A_42, %add3A_81 : i32
      %mul3A_83 = arith.constant 40 : i32
      %mul3A_84 = arith.muli %add3A_82, %mul3A_83 : i32
      "tpu.region"() ({
        %run_scoped3A = tpu.sem_alloc : memref<!tpu.dma_semaphore, #tpu.memory_space<semaphore_mem>>
        %dma_start3A_124 = tpu.memref_slice %arg7[%mul3A_84] : memref<10000xi32, #tpu.memory_space<vmem>> -> memref<40xi32, #tpu.memory_space<vmem>>
        %dma_start3A_125 = arith.constant 0 : i32
        %dma_start3A_126 = arith.constant 0 : i32
        %dma_start3A_127 = tpu.memref_slice %arg13[%dma_start3A_125, %dma_start3A_126] : memref<10240x128xf32, #tpu.memory_space<vmem_shared>> -> memref<10240x128xf32, #tpu.memory_space<vmem_shared>>
        tpu.enqueue_indirect_dma source(%arg10 : memref<40x128xf32, #tpu.memory_space<vmem>>) target(%dma_start3A_127 : memref<10240x128xf32, #tpu.memory_space<vmem_shared>>) offsets(%dma_start3A_124 : memref<40xi32, #tpu.memory_space<vmem>>) semaphore(%run_scoped3A : memref<!tpu.dma_semaphore, #tpu.memory_space<semaphore_mem>>) {add = true}
        %dma_wait3A_128 = tpu.memref_slice %arg7[%mul3A_84] : memref<10000xi32, #tpu.memory_space<vmem>> -> memref<40xi32, #tpu.memory_space<vmem>>
        %dma_wait3A_129 = arith.constant 0 : i32
        %dma_wait3A_130 = arith.constant 0 : i32
        %dma_wait3A_131 = tpu.memref_slice %arg13[%dma_wait3A_129, %dma_wait3A_130] : memref<10240x128xf32, #tpu.memory_space<vmem_shared>> -> memref<10240x128xf32, #tpu.memory_space<vmem_shared>>
        tpu.wait_indirect_dma semaphore(%run_scoped3A : memref<!tpu.dma_semaphore, #tpu.memory_space<semaphore_mem>>) src(%arg10 : memref<40x128xf32, #tpu.memory_space<vmem>>) dst(%dma_wait3A_131 : memref<10240x128xf32, #tpu.memory_space<vmem_shared>>)
        tpu.yield
      }) : () -> ()
      %lt3A_85 = arith.constant 49 : i32
      %lt3A_86 = arith.cmpi slt, %scan3A_40, %lt3A_85 : i32
      %convert_element_type3A_87 = arith.extui %lt3A_86 : i1 to i32
      %cond3A_88 = arith.constant 0 : i32
      %cond3A_89 = arith.cmpi ne, %convert_element_type3A_87, %cond3A_88 : i32
      scf.if %cond3A_89 {
        %add3A_124 = arith.constant 2 : i32
        %add3A_125 = arith.addi %mul3A_42, %add3A_124 : i32
        %add3A_126 = arith.constant 5 : i32
        %add3A_127 = arith.addi %add3A_125, %add3A_126 : i32
        %mul3A_128 = arith.constant 40 : i32
        %mul3A_129 = arith.muli %add3A_127, %mul3A_128 : i32
        %dma_start3A_130 = tpu.memref_slice %arg6[%mul3A_129] : memref<10000xi32, #tpu.memory_space<vmem>> -> memref<40xi32, #tpu.memory_space<vmem>>
        %dma_start3A_131 = arith.constant 0 : i32
        %dma_start3A_132 = arith.constant 0 : i32
        %dma_start3A_133 = tpu.memref_slice %arg3[%dma_start3A_131, %dma_start3A_132] : memref<10000x128xf32, #tpu.memory_space<hbm>> -> memref<10000x128xf32, #tpu.memory_space<hbm>>
        tpu.enqueue_indirect_dma source(%dma_start3A_133 : memref<10000x128xf32, #tpu.memory_space<hbm>>) target(%arg10 : memref<40x128xf32, #tpu.memory_space<vmem>>) offsets(%dma_start3A_130 : memref<40xi32, #tpu.memory_space<vmem>>) semaphore(%arg16 : memref<!tpu.dma_semaphore, #tpu.memory_space<semaphore_mem>>)
      } else {
      }
      %add3A_90 = arith.constant 3 : i32
      %add3A_91 = arith.addi %mul3A_42, %add3A_90 : i32
      %mul3A_92 = arith.constant 40 : i32
      %mul3A_93 = arith.muli %add3A_91, %mul3A_92 : i32
      %dma_wait3A_94 = tpu.memref_slice %arg6[%mul3A_93] : memref<10000xi32, #tpu.memory_space<vmem>> -> memref<40xi32, #tpu.memory_space<vmem>>
      %dma_wait3A_95 = arith.constant 0 : i32
      %dma_wait3A_96 = arith.constant 0 : i32
      %dma_wait3A_97 = tpu.memref_slice %arg3[%dma_wait3A_95, %dma_wait3A_96] : memref<10000x128xf32, #tpu.memory_space<hbm>> -> memref<10000x128xf32, #tpu.memory_space<hbm>>
      tpu.wait_indirect_dma semaphore(%arg17 : memref<!tpu.dma_semaphore, #tpu.memory_space<semaphore_mem>>) src(%dma_wait3A_97 : memref<10000x128xf32, #tpu.memory_space<hbm>>) dst(%arg11 : memref<40x128xf32, #tpu.memory_space<vmem>>)
      %add3A_98 = arith.constant 3 : i32
      %add3A_99 = arith.addi %mul3A_42, %add3A_98 : i32
      %mul3A_100 = arith.constant 40 : i32
      %mul3A_101 = arith.muli %add3A_99, %mul3A_100 : i32
      "tpu.region"() ({
        %run_scoped3A = tpu.sem_alloc : memref<!tpu.dma_semaphore, #tpu.memory_space<semaphore_mem>>
        %dma_start3A_124 = tpu.memref_slice %arg7[%mul3A_101] : memref<10000xi32, #tpu.memory_space<vmem>> -> memref<40xi32, #tpu.memory_space<vmem>>
        %dma_start3A_125 = arith.constant 0 : i32
        %dma_start3A_126 = arith.constant 0 : i32
        %dma_start3A_127 = tpu.memref_slice %arg13[%dma_start3A_125, %dma_start3A_126] : memref<10240x128xf32, #tpu.memory_space<vmem_shared>> -> memref<10240x128xf32, #tpu.memory_space<vmem_shared>>
        tpu.enqueue_indirect_dma source(%arg11 : memref<40x128xf32, #tpu.memory_space<vmem>>) target(%dma_start3A_127 : memref<10240x128xf32, #tpu.memory_space<vmem_shared>>) offsets(%dma_start3A_124 : memref<40xi32, #tpu.memory_space<vmem>>) semaphore(%run_scoped3A : memref<!tpu.dma_semaphore, #tpu.memory_space<semaphore_mem>>) {add = true}
        %dma_wait3A_128 = tpu.memref_slice %arg7[%mul3A_101] : memref<10000xi32, #tpu.memory_space<vmem>> -> memref<40xi32, #tpu.memory_space<vmem>>
        %dma_wait3A_129 = arith.constant 0 : i32
        %dma_wait3A_130 = arith.constant 0 : i32
        %dma_wait3A_131 = tpu.memref_slice %arg13[%dma_wait3A_129, %dma_wait3A_130] : memref<10240x128xf32, #tpu.memory_space<vmem_shared>> -> memref<10240x128xf32, #tpu.memory_space<vmem_shared>>
        tpu.wait_indirect_dma semaphore(%run_scoped3A : memref<!tpu.dma_semaphore, #tpu.memory_space<semaphore_mem>>) src(%arg11 : memref<40x128xf32, #tpu.memory_space<vmem>>) dst(%dma_wait3A_131 : memref<10240x128xf32, #tpu.memory_space<vmem_shared>>)
        tpu.yield
      }) : () -> ()
      %lt3A_102 = arith.constant 49 : i32
      %lt3A_103 = arith.cmpi slt, %scan3A_40, %lt3A_102 : i32
      %convert_element_type3A_104 = arith.extui %lt3A_103 : i1 to i32
      %cond3A_105 = arith.constant 0 : i32
      %cond3A_106 = arith.cmpi ne, %convert_element_type3A_104, %cond3A_105 : i32
      scf.if %cond3A_106 {
        %add3A_124 = arith.constant 3 : i32
        %add3A_125 = arith.addi %mul3A_42, %add3A_124 : i32
        %add3A_126 = arith.constant 5 : i32
        %add3A_127 = arith.addi %add3A_125, %add3A_126 : i32
        %mul3A_128 = arith.constant 40 : i32
        %mul3A_129 = arith.muli %add3A_127, %mul3A_128 : i32
        %dma_start3A_130 = tpu.memref_slice %arg6[%mul3A_129] : memref<10000xi32, #tpu.memory_space<vmem>> -> memref<40xi32, #tpu.memory_space<vmem>>
        %dma_start3A_131 = arith.constant 0 : i32
        %dma_start3A_132 = arith.constant 0 : i32
        %dma_start3A_133 = tpu.memref_slice %arg3[%dma_start3A_131, %dma_start3A_132] : memref<10000x128xf32, #tpu.memory_space<hbm>> -> memref<10000x128xf32, #tpu.memory_space<hbm>>
        tpu.enqueue_indirect_dma source(%dma_start3A_133 : memref<10000x128xf32, #tpu.memory_space<hbm>>) target(%arg11 : memref<40x128xf32, #tpu.memory_space<vmem>>) offsets(%dma_start3A_130 : memref<40xi32, #tpu.memory_space<vmem>>) semaphore(%arg17 : memref<!tpu.dma_semaphore, #tpu.memory_space<semaphore_mem>>)
      } else {
      }
      %add3A_107 = arith.constant 4 : i32
      %add3A_108 = arith.addi %mul3A_42, %add3A_107 : i32
      %mul3A_109 = arith.constant 40 : i32
      %mul3A_110 = arith.muli %add3A_108, %mul3A_109 : i32
      %dma_wait3A_111 = tpu.memref_slice %arg6[%mul3A_110] : memref<10000xi32, #tpu.memory_space<vmem>> -> memref<40xi32, #tpu.memory_space<vmem>>
      %dma_wait3A_112 = arith.constant 0 : i32
      %dma_wait3A_113 = arith.constant 0 : i32
      %dma_wait3A_114 = tpu.memref_slice %arg3[%dma_wait3A_112, %dma_wait3A_113] : memref<10000x128xf32, #tpu.memory_space<hbm>> -> memref<10000x128xf32, #tpu.memory_space<hbm>>
      tpu.wait_indirect_dma semaphore(%arg18 : memref<!tpu.dma_semaphore, #tpu.memory_space<semaphore_mem>>) src(%dma_wait3A_114 : memref<10000x128xf32, #tpu.memory_space<hbm>>) dst(%arg12 : memref<40x128xf32, #tpu.memory_space<vmem>>)
      %add3A_115 = arith.constant 4 : i32
      %add3A_116 = arith.addi %mul3A_42, %add3A_115 : i32
      %mul3A_117 = arith.constant 40 : i32
      %mul3A_118 = arith.muli %add3A_116, %mul3A_117 : i32
      "tpu.region"() ({
        %run_scoped3A = tpu.sem_alloc : memref<!tpu.dma_semaphore, #tpu.memory_space<semaphore_mem>>
        %dma_start3A_124 = tpu.memref_slice %arg7[%mul3A_118] : memref<10000xi32, #tpu.memory_space<vmem>> -> memref<40xi32, #tpu.memory_space<vmem>>
        %dma_start3A_125 = arith.constant 0 : i32
        %dma_start3A_126 = arith.constant 0 : i32
        %dma_start3A_127 = tpu.memref_slice %arg13[%dma_start3A_125, %dma_start3A_126] : memref<10240x128xf32, #tpu.memory_space<vmem_shared>> -> memref<10240x128xf32, #tpu.memory_space<vmem_shared>>
        tpu.enqueue_indirect_dma source(%arg12 : memref<40x128xf32, #tpu.memory_space<vmem>>) target(%dma_start3A_127 : memref<10240x128xf32, #tpu.memory_space<vmem_shared>>) offsets(%dma_start3A_124 : memref<40xi32, #tpu.memory_space<vmem>>) semaphore(%run_scoped3A : memref<!tpu.dma_semaphore, #tpu.memory_space<semaphore_mem>>) {add = true}
        %dma_wait3A_128 = tpu.memref_slice %arg7[%mul3A_118] : memref<10000xi32, #tpu.memory_space<vmem>> -> memref<40xi32, #tpu.memory_space<vmem>>
        %dma_wait3A_129 = arith.constant 0 : i32
        %dma_wait3A_130 = arith.constant 0 : i32
        %dma_wait3A_131 = tpu.memref_slice %arg13[%dma_wait3A_129, %dma_wait3A_130] : memref<10240x128xf32, #tpu.memory_space<vmem_shared>> -> memref<10240x128xf32, #tpu.memory_space<vmem_shared>>
        tpu.wait_indirect_dma semaphore(%run_scoped3A : memref<!tpu.dma_semaphore, #tpu.memory_space<semaphore_mem>>) src(%arg12 : memref<40x128xf32, #tpu.memory_space<vmem>>) dst(%dma_wait3A_131 : memref<10240x128xf32, #tpu.memory_space<vmem_shared>>)
        tpu.yield
      }) : () -> ()
      %lt3A_119 = arith.constant 49 : i32
      %lt3A_120 = arith.cmpi slt, %scan3A_40, %lt3A_119 : i32
      %convert_element_type3A_121 = arith.extui %lt3A_120 : i1 to i32
      %cond3A_122 = arith.constant 0 : i32
      %cond3A_123 = arith.cmpi ne, %convert_element_type3A_121, %cond3A_122 : i32
      scf.if %cond3A_123 {
        %add3A_124 = arith.constant 4 : i32
        %add3A_125 = arith.addi %mul3A_42, %add3A_124 : i32
        %add3A_126 = arith.constant 5 : i32
        %add3A_127 = arith.addi %add3A_125, %add3A_126 : i32
        %mul3A_128 = arith.constant 40 : i32
        %mul3A_129 = arith.muli %add3A_127, %mul3A_128 : i32
        %dma_start3A_130 = tpu.memref_slice %arg6[%mul3A_129] : memref<10000xi32, #tpu.memory_space<vmem>> -> memref<40xi32, #tpu.memory_space<vmem>>
        %dma_start3A_131 = arith.constant 0 : i32
        %dma_start3A_132 = arith.constant 0 : i32
        %dma_start3A_133 = tpu.memref_slice %arg3[%dma_start3A_131, %dma_start3A_132] : memref<10000x128xf32, #tpu.memory_space<hbm>> -> memref<10000x128xf32, #tpu.memory_space<hbm>>
        tpu.enqueue_indirect_dma source(%dma_start3A_133 : memref<10000x128xf32, #tpu.memory_space<hbm>>) target(%arg12 : memref<40x128xf32, #tpu.memory_space<vmem>>) offsets(%dma_start3A_130 : memref<40xi32, #tpu.memory_space<vmem>>) semaphore(%arg18 : memref<!tpu.dma_semaphore, #tpu.memory_space<semaphore_mem>>)
      } else {
      }
    }
    %scan3A_35 = arith.constant 50 : i32
    %barrier3A_36 = arith.constant 0 : index
    tpu.barrier barrier_id(%barrier3A_36)
    %mul3A_37 = arith.constant 10240 : i32
    %mul3A_38 = arith.muli %arg0, %mul3A_37 : i32
    %add3A_39 = arith.addi %mul3A_38, %mul3A_2 : i32
    "tpu.region"() ({
      %run_scoped3A = tpu.sem_alloc : memref<!tpu.dma_semaphore, #tpu.memory_space<semaphore_mem>>
      %dma_start3A_40 = arith.constant 0 : i32
      %dma_start3A_41 = tpu.memref_slice %arg5[%add3A_39, %dma_start3A_40] : memref<20480x128xf32, #tpu.memory_space<hbm>> -> memref<640x128xf32, #tpu.memory_space<hbm>>
      %dma_start3A_42 = arith.constant 0 : i32
      %dma_start3A_43 = tpu.memref_slice %arg13[%mul3A_2, %dma_start3A_42] : memref<10240x128xf32, #tpu.memory_space<vmem_shared>> -> memref<640x128xf32, #tpu.memory_space<vmem_shared>>
      tpu.enqueue_dma source(%dma_start3A_43 : memref<640x128xf32, #tpu.memory_space<vmem_shared>>) target(%dma_start3A_41 : memref<640x128xf32, #tpu.memory_space<hbm>>) target_semaphore(%run_scoped3A : memref<!tpu.dma_semaphore, #tpu.memory_space<semaphore_mem>>)
      %dma_wait3A = arith.constant 0 : i32
      %dma_wait3A_44 = tpu.memref_slice %arg5[%add3A_39, %dma_wait3A] : memref<20480x128xf32, #tpu.memory_space<hbm>> -> memref<640x128xf32, #tpu.memory_space<hbm>>
      %dma_wait3A_45 = arith.constant 0 : i32
      %dma_wait3A_46 = tpu.memref_slice %arg13[%mul3A_2, %dma_wait3A_45] : memref<10240x128xf32, #tpu.memory_space<vmem_shared>> -> memref<640x128xf32, #tpu.memory_space<vmem_shared>>
      tpu.wait_dma2 semaphore(%run_scoped3A : memref<!tpu.dma_semaphore, #tpu.memory_space<semaphore_mem>>) src(%dma_wait3A_46 : memref<640x128xf32, #tpu.memory_space<vmem_shared>>) dst(%dma_wait3A_44 : memref<640x128xf32, #tpu.memory_space<hbm>>)
      tpu.yield
    }) : () -> ()
    return
  }
}

module attributes {stable_mosaic.version = 14 : i64} {
  func.func @_tc_body(%arg0: i32, %arg1: memref<1280x128xf32, #tpu.memory_space<vmem>>, %arg2: memref<1280x128xf32, #tpu.memory_space<vmem>>, %arg3: memref<1280x128xf32, #tpu.memory_space<vmem>>, %arg4: memref<128x128xf32, #tpu.memory_space<vmem>>, %arg5: memref<128x128xf32, #tpu.memory_space<vmem>>, %arg6: memref<1x128xf32, #tpu.memory_space<vmem>>, %arg7: memref<1280x128xf32, #tpu.memory_space<vmem>>) attributes {dimension_semantics = [#tpu.dimension_semantics<arbitrary>], iteration_bounds = array<i64: 8>, scalar_prefetch = 0 : i64, scratch_operands = 0 : i64, tpu.core_type = #tpu.core_type<tc>, window_params = [{transform_indices = @transform_0, window_bounds = array<i64: 1280, 128>}, {transform_indices = @transform_1, window_bounds = array<i64: 1280, 128>}, {transform_indices = @transform_2, window_bounds = array<i64: 1280, 128>}, {pipeline_mode = #tpu.pipeline_mode<synchronous>, transform_indices = @transform_3, window_bounds = array<i64: 128, 128>}, {pipeline_mode = #tpu.pipeline_mode<synchronous>, transform_indices = @transform_4, window_bounds = array<i64: 128, 128>}, {pipeline_mode = #tpu.pipeline_mode<synchronous>, transform_indices = @transform_5, window_bounds = array<i64: 1, 128>}, {transform_indices = @transform_6, window_bounds = array<i64: 1280, 128>}]} {
    %get3A = arith.constant 0 : index
    %get3A_0 = arith.constant 0 : index
    %get3A_1 = vector.load %arg2[%get3A, %get3A_0] : memref<1280x128xf32, #tpu.memory_space<vmem>>, vector<1280x128xf32>
    %get3A_2 = arith.constant 0 : index
    %get3A_3 = arith.constant 0 : index
    %get3A_4 = vector.load %arg3[%get3A_2, %get3A_3] : memref<1280x128xf32, #tpu.memory_space<vmem>>, vector<1280x128xf32>
    %add3A = arith.addf %get3A_1, %get3A_4 : vector<1280x128xf32>
    %get3A_5 = arith.constant 0 : index
    %get3A_6 = arith.constant 0 : index
    %get3A_7 = vector.load %arg1[%get3A_5, %get3A_6] : memref<1280x128xf32, #tpu.memory_space<vmem>>, vector<1280x128xf32>
    %get3A_8 = arith.constant 0 : index
    %get3A_9 = arith.constant 0 : index
    %get3A_10 = vector.load %arg4[%get3A_8, %get3A_9] : memref<128x128xf32, #tpu.memory_space<vmem>>, vector<128x128xf32>
    %dot_general3A = arith.constant dense<0.000000e+00> : vector<1280x128xf32>
    %dot_general3A_11 = tpu.matmul %get3A_7, %get3A_10, %dot_general3A {dimension_numbers = #tpu.dot_dimension_numbers<[1], [0], [0], [1], [0, 0, 1, 1], [], []>, transpose_lhs_hint = false} : vector<1280x128xf32>, vector<128x128xf32>, vector<1280x128xf32> -> vector<1280x128xf32>
    %get3A_12 = arith.constant 0 : index
    %get3A_13 = arith.constant 0 : index
    %get3A_14 = vector.load %arg5[%get3A_12, %get3A_13] : memref<128x128xf32, #tpu.memory_space<vmem>>, vector<128x128xf32>
    %dot_general3A_15 = arith.constant dense<0.000000e+00> : vector<1280x128xf32>
    %dot_general3A_16 = tpu.matmul %add3A, %get3A_14, %dot_general3A_15 {dimension_numbers = #tpu.dot_dimension_numbers<[1], [0], [0], [1], [0, 0, 1, 1], [], []>, transpose_lhs_hint = false} : vector<1280x128xf32>, vector<128x128xf32>, vector<1280x128xf32> -> vector<1280x128xf32>
    %add3A_17 = arith.addf %dot_general3A_11, %dot_general3A_16 : vector<1280x128xf32>
    %get3A_18 = arith.constant 0 : index
    %get3A_19 = arith.constant 0 : index
    %get3A_20 = vector.load %arg6[%get3A_18, %get3A_19] : memref<1x128xf32, #tpu.memory_space<vmem>>, vector<1x128xf32>
    %add3A_21 = vector.broadcast %get3A_20 : vector<1x128xf32> to vector<1280x128xf32>
    %add3A_22 = arith.addf %add3A_17, %add3A_21 : vector<1280x128xf32>
    %max3A = arith.constant 0.000000e+00 : f32
    %max3A_23 = vector.broadcast %max3A : f32 to vector<1280x128xf32>
    %max3A_24 = arith.maximumf %add3A_22, %max3A_23 : vector<1280x128xf32>
    %swap3A = arith.constant 0 : index
    %swap3A_25 = arith.constant 0 : index
    %swap3A_26 = vector.load %arg7[%swap3A, %swap3A_25] : memref<1280x128xf32, #tpu.memory_space<vmem>>, vector<1280x128xf32>
    tpu.vector_store %arg7[%swap3A, %swap3A_25], %max3A_24 {strides = array<i32>} : memref<1280x128xf32, #tpu.memory_space<vmem>>, vector<1280x128xf32>,
    return
  }
  func.func @transform_0(%arg0: i32) -> (i32, i32) {
    %c0_i32 = arith.constant 0 : i32
    %c0_i32_0 = arith.constant 0 : i32
    return %arg0, %c0_i32 : i32, i32
  }
  func.func @transform_1(%arg0: i32) -> (i32, i32) {
    %c0_i32 = arith.constant 0 : i32
    %c0_i32_0 = arith.constant 0 : i32
    return %arg0, %c0_i32 : i32, i32
  }
  func.func @transform_2(%arg0: i32) -> (i32, i32) {
    %add3A = arith.constant 8 : i32
    %add3A_0 = arith.addi %arg0, %add3A : i32
    %c0_i32 = arith.constant 0 : i32
    %c0_i32_1 = arith.constant 0 : i32
    return %add3A_0, %c0_i32 : i32, i32
  }
  func.func @transform_3(%arg0: i32) -> (i32, i32) {
    %c0_i32 = arith.constant 0 : i32
    %c0_i32_0 = arith.constant 0 : i32
    %c0_i32_1 = arith.constant 0 : i32
    return %c0_i32, %c0_i32_0 : i32, i32
  }
  func.func @transform_4(%arg0: i32) -> (i32, i32) {
    %c0_i32 = arith.constant 0 : i32
    %c0_i32_0 = arith.constant 0 : i32
    %c0_i32_1 = arith.constant 0 : i32
    return %c0_i32, %c0_i32_0 : i32, i32
  }
  func.func @transform_5(%arg0: i32) -> (i32, i32) {
    %c0_i32 = arith.constant 0 : i32
    %c0_i32_0 = arith.constant 0 : i32
    %c0_i32_1 = arith.constant 0 : i32
    return %c0_i32, %c0_i32_0 : i32, i32
  }
  func.func @transform_6(%arg0: i32) -> (i32, i32) {
    %c0_i32 = arith.constant 0 : i32
    %c0_i32_0 = arith.constant 0 : i32
    return %arg0, %c0_i32 : i32, i32
  }
}

</mosaic_0001>

<sc_bundles>
// kernel: kernel.4.cloned.1.call-start
scs
__scs_entry_jumppad:
0x0: {  	(pc) =	sbr.rel $0x88, $3  }
0x1: {  	(tag) =	ssettag $0x0;
	lr =	simm.s32 $0x1  }
0x2: {  	[smem:$0x3F9C] =	sst lr;
	_ =	strace $0xD0000000  }
0x3: {  	_ = 	snop  }
0x4: {  	_ = 	snop  }
0x5: {  	_ = 	snop  }
0x6: {  	_ = 	snop  }
0x7: {  	_ = 	snop  }
__scs_overlays_trampoline_lowered:
0x8: {  	[smem:$0x3FAB] =	sst s0  }
0x9: {  	[smem:$0x3FAC] =	sst s1  }
0xa: {  	[smem:$0x3FAD] =	sst s2  }
0xb: {  	[smem:$0x3FAE] =	sst s3  }
0xc: {  	[smem:$0x3FAF] =	sst s4  }
0xd: {  	[smem:$0x3FB0] =	sst s5  }
0xe: {  	[smem:$0x3FB1] =	sst s6  }
0xf: {  	[smem:$0x3FB2] =	sst s7  }
0x10: {  	[smem:$0x3FB3] =	sst s8  }
0x11: {  	[smem:$0x3FB4] =	sst s9;
	s0 =	simm.s32 @!p0 $0x0  }
0x12: {  	s1 =	sld [smem:$0x3F9A];
	s0 =	simm.s32 @p0 $0x1  }
0x13: {  	[smem:$0x3FB5] =	sst s0;
	s0 =	simm.s32 @!p1 $0x0  }
0x14: {  	s2 =	sld [smem:$0x3F99];
	s0 =	simm.s32 @p1 $0x1  }
0x15: {  	[smem:$0x3FB6] =	sst s0;
	s0 =	simm.s32 @!p2 $0x0  }
0x16: {  	s3 =	sld [smem:$0x3FDB];
	s0 =	simm.s32 @p2 $0x1  }
0x17: {  	s4 =	simm.s32 $0x1BF5;
	[smem:$0x3FB8] =	sst s0  }
0x18: {  	s0 =	sld [smem:$0x3F9B];
	_ =	swait.ge [sflag:s4], $0x0  }
0x19: {  	s7 =	sld [smem:$0x3F9C]  }
0x1a: {  	s8 =	sadd.s32 $0xFFFFE003, lr  }
0x1b: {  	s9 =	sadd.s32 $0xFFFFFEF7, lr;
	s5 =	simm.s32 $0xFFFFFFFF;
	p2 =	slt.u32 s8, $0xFFFFF086  }
0x1c: {  	p1 =	slt.u32 s9, $0xF7A;
	s5 =	simm.s32 @!p2 $0x0  }
0x1d: {  	s5 =	simm.s32 @p1 $0x1;
	p0 =	seq.s32 s7, s2  }
0x1e: {  	s7 =	smul.u32 @!p0 $0xF7A, s2;
	p2 =	seq.s32 @!p0 s5, $0x0  }
0x1f: {  	s9 =	smul.u32 $0xF7A, s1;
	s8 =	simm.s32 @!p0 $0x1BF5;
	p2 =	por !p2, p0  }
0x20: {  	[sflag:s8] =	ssyncset.s32 @!p0 $0xFFFFF086;
	s6 =	sadd.s32 @!p0 s3, s7;
	s7 =	simm.s32 @!p0 $0x108  }
0x21: {  	s3 =	sadd.s32 s3, s9;
	s6 =	sadd.s32 @!p0 $0x88, s6;
	s7 =	simm.s32 @p2 $0x1082  }
0x22: {  	[simem:s7], [sflag:s8] =	dma.local @!p0 [hbm:s6], $0xF7A  }
0x23: {  	s9 =	sor.u32 $0xD0000000, s2;
	s6 =	simm.s32 $0x108;
	_ =	swait.ge @!p0 [sflag:s8], $0x0  }
0x24: {  	s3 =	sadd.s32 $0x88, s3;
	s6 =	simm.s32 @!p1 $0x1082;
	[sflag:s4] =	ssyncset.s32 $0xFFFFF086  }
0x25: {  	[simem:s6], [sflag:s4] =	dma.local [hbm:s3], $0xF7A  }
0x26: {  	[smem:$0x3F9C] =	sst s1;
	(tag) =	ssettag s2;
	_ =	strace s9  }
0x27: {  	s1 =	sld [smem:$0x3FAC]  }
0x28: {  	s2 =	sld [smem:$0x3FAD]  }
0x29: {  	s4 =	sld [smem:$0x3FAF]  }
0x2a: {  	p0 =	seq.s32 s5, $0x0;
	s5 =	sld [smem:$0x3FB0]  }
0x2b: {  	s6 =	sld [smem:$0x3FB1]  }
0x2c: {  	s7 =	sld [smem:$0x3FB2]  }
0x2d: {  	s3 =	simm.s32 $0x108;
	s8 =	sld [smem:$0x3FB3]  }
0x2e: {  	s3 =	simm.s32 @!p0 $0x1082;
	s9 =	sld [smem:$0x3FB4]  }
0x2f: {  	lr =	sadd.s32 s0, s3;
	s0 =	sld [smem:$0x3FAB]  }
0x30: {  	s3 =	sld [smem:$0x3FAE]  }
0x31: {  	[smem:$0x3FB7] =	sst s10  }
0x32: {  	s10 =	sld [smem:$0x3FB5];
	_ =	sdelay $0x3  }
0x33: {  	p0 =	seq.s32 s10, $0x1;
	s10 =	sld [smem:$0x3FB7];
	_ =	sdelay $0x3  }
0x34: {  	[smem:$0x3FB7] =	sst s10  }
0x35: {  	s10 =	sld [smem:$0x3FB6];
	_ =	sdelay $0x3  }
0x36: {  	p1 =	seq.s32 s10, $0x1;
	s10 =	sld [smem:$0x3FB7];
	_ =	sdelay $0x3  }
0x37: {  	[smem:$0x3FB7] =	sst s10  }
0x38: {  	s10 =	sld [smem:$0x3FB8]  }
0x39: {  	_ = 	snop;
	(pc) =	sbr.ind lr, $3  }
0x3a: {  	_ = 	snop  }
0x3b: {  	_ = 	snop  }
0x3c: {  	p2 =	seq.s32 s10, $0x1;
	s10 =	sld [smem:$0x3FB7]  }
0x3d: {  	_ =	shalt  }
0x3e: {  	_ =	shalt  }
0x3f: {  	_ =	shalt  }
0x40: {  	_ =	shalt  }
0x41: {  	_ =	shalt  }
0x42: {  	_ =	shalt  }
0x43: {  	_ =	shalt  }
0x44: {  	_ =	shalt  }
0x45: {  	_ =	shalt  }
0x46: {  	_ =	shalt  }
0x47: {  	_ =	shalt  }
0x48: {  	_ =	shalt  }
0x49: {  	_ =	shalt  }
0x4a: {  	_ =	shalt  }
0x4b: {  	_ =	shalt  }
0x4c: {  	_ =	shalt  }
0x4d: {  	_ =	shalt  }
0x4e: {  	_ =	shalt  }
0x4f: {  	_ =	shalt  }
0x50: {  	_ =	shalt  }
0x51: {  	_ =	shalt  }
0x52: {  	_ =	shalt  }
0x53: {  	_ =	shalt  }
0x54: {  	_ =	shalt  }
0x55: {  	_ =	shalt  }
0x56: {  	_ =	shalt  }
0x57: {  	_ =	shalt  }
0x58: {  	_ =	shalt  }
0x59: {  	_ =	shalt  }
0x5a: {  	_ =	shalt  }
0x5b: {  	_ =	shalt  }
0x5c: {  	_ =	shalt  }
0x5d: {  	_ =	shalt  }
0x5e: {  	_ =	shalt  }
0x5f: {  	_ =	shalt  }
0x60: {  	_ =	shalt  }
0x61: {  	_ =	shalt  }
0x62: {  	_ =	shalt  }
0x63: {  	_ =	shalt  }
0x64: {  	_ =	shalt  }
0x65: {  	_ =	shalt  }
0x66: {  	_ =	shalt  }
0x67: {  	_ =	shalt  }
0x68: {  	_ =	shalt  }
0x69: {  	_ =	shalt  }
0x6a: {  	_ =	shalt  }
0x6b: {  	_ =	shalt  }
0x6c: {  	_ =	shalt  }
0x6d: {  	_ =	shalt  }
0x6e: {  	_ =	shalt  }
0x6f: {  	_ =	shalt  }
0x70: {  	_ =	shalt  }
0x71: {  	_ =	shalt  }
0x72: {  	_ =	shalt  }
0x73: {  	_ =	shalt  }
0x74: {  	_ =	shalt  }
0x75: {  	_ =	shalt  }
0x76: {  	_ =	shalt  }
0x77: {  	_ =	shalt  }
0x78: {  	_ =	shalt  }
0x79: {  	_ =	shalt  }
0x7a: {  	_ =	shalt  }
0x7b: {  	_ =	shalt  }
0x7c: {  	_ =	shalt  }
0x7d: {  	_ =	shalt  }
0x7e: {  	_ =	shalt  }
0x7f: {  	_ =	shalt  }
0x80: {  	_ =	shalt  }
0x81: {  	_ =	shalt  }
0x82: {  	_ =	shalt  }
0x83: {  	_ =	shalt  }
0x84: {  	_ =	shalt  }
0x85: {  	_ =	shalt  }
0x86: {  	_ =	shalt  }
0x87: {  	_ =	shalt  }
.Lfunc_end0:
.L_simem_size_0:
called_computation_lowered:
.L_overlay_start_0:
0x88: {  	s2 =	sld [smem:$0x3FD9]  }
0x89: {  	s3 =	sld [smem:$0x3FFE];
	_ =	sdelay $0x1  }
0x8a: {  	s1 =	srdreg.scid  }
0x8b: {  	s0 =	sand.u32 $0x1, s1  }
0x8c: {  	s17 =	sshll.u32 s0, $0xA;
	s2 =	sadd.s32 s3, s2  }
0x8d: {  	s2 =	sadd.s32 s2, s17  }
0x8e: {  	[smem:$0x3FC3] =	sst s2  }
0x8f: {  	_ = 	snop  }
0x90: {  	s2 =	sld [smem:$0x3FC9]  }
0x91: {  	s18 =	sld [smem:$0x3FD0];
	(tm) =	ssettm $0x1  }
0x92: {  	s4 =	sld [smem:$0x3FFB];
	_ =	sdelay $0x3  }
0x93: {  	_ =	strace s4  }
0x94: {  	s4 =	sld [smem:$0x3FFC];
	_ =	sdelay $0x3  }
0x95: {  	_ =	strace s4  }
0x96: {  	s4 =	sld [smem:$0x3FFD];
	_ =	sdelay $0x3  }
0x97: {  	_ =	strace s4  }
0x98: {  	_ =	strace $0x8FFFFFFF  }
0x99: {  	s19 =	sld [smem:$0x3FDB];
	_ =	sdelay $0x1  }
0x9a: {  	s5 =	simm.s32 $_scs_section_size  }
0x9b: {  	s6 =	simm.s32 $_size__tile_overlayer_lowered;
	s7 =	simm.s32 $_tile_overlayer_lowered  }
0x9c: {  	s22 =	simm.s32 $0x1BFF;
	s21 =	sshll.u32 s7, $0x1;
	s4 =	sadd.s32 s5, s19  }
0x9d: {  	s8 =	simm.s32 $0x0;
	s20 =	sshll.u32 s6, $0x1;
	s6 =	sadd.s32 s21, s4  }
0x9e: {  	[timem:s8], [sflag:s22] =	dma.local [hbm:s6], s20  }
0x9f: {  	_ =	swait.ge [sflag:s22], s20  }
0xa0: {  	s5 =	ssub.s32 $0x0, s20;
	[sflag:s22] =	ssyncset.done $0x0  }
0xa1: {  	[sflag:s22] =	ssyncadd.s32 s5;
	_ =	sdelay $0x1  }
0xa2: {  	s23 =	simm.s32 $0x1B8B  }
0xa3: {  	_ =	swait.ge [sflag:s23], $0x1  }
0xa4: {  	[sflag:s23] =	ssyncset.done $0x0  }
0xa5: {  	s25 =	simm.s32 $0x1B8E;
	s24 =	sld [smem:$0x3FFE];
	[sflag:s23] =	ssyncadd.s32 $0xFFFFFFFF  }
0xa6: {  	s26 =	simm.s32 $execute0_lowered;
	[smem:$0x3FD2] =	sst s25  }
0xa7: {  	s6 =	sshll.u32 s26, $0x1;
	_ =	strace $0x80000046;
	[dreg:$0x1] =	wrdreg $0xFFFFFFFF  }
0xa8: {  	s28 =	simm.s32 $_size_execute0_lowered;
	s4 =	sadd.s32 s4, s6;
	[dreg:$0x0] =	wrdreg $0x0  }
0xa9: {  	s6 =	sshll.u32 s28, $0x1;
	[dreg:$0x2] =	wrdreg s4  }
0xaa: {  	[dreg:$0x3] =	wrdreg s6  }
0xab: {  	[dreg:$0x4] =	wrdreg $0xC0  }
0xac: {  	_ =	task [dreg:s8], $0x5FFFF  }
0xad: {  	[dreg:$0x1] =	wrdreg $0xFFFFFFFF  }
0xae: {  	[dreg:$0x0] =	wrdreg $0x60  }
0xaf: {  	[dreg:$0x2] =	wrdreg s18  }
0xb0: {  	[dreg:$0x3] =	wrdreg s2  }
0xb1: {  	[dreg:$0x4] =	wrdreg s24  }
0xb2: {  	[dreg:$0x5] =	wrdreg $0xB3000  }
0xb3: {  	[dreg:$0x6] =	wrdreg $0x9  }
0xb4: {  	_ =	task.clear_ibuf [dreg:s8], $0x7FFFF;
	_ =	strace $0x90000046  }
0xb5: {  	s29 =	simm.s32 $0x9;
	_ =	strace $0x80000048  }
0xb6: {  	_ =	swait.ge [sflag:s29], $0x1  }
0xb7: {  	[sflag:s29] =	ssyncadd.s32 $0xFFFFFFFF  }
0xb8: {  	_ =	strace $0x90000048  }
0xb9: {  	_ =	sfence  }
0xba: {  	s30 =	sld [smem:$0x0];
	_ =	sdelay $0x2  }
0xbb: {  	s31 =	sshll.u32 s1, $0xD;
	s1 =	sshrl.u32 s1, $0x2  }
0xbc: {  	s3 =	sand.u32 $0x4000, s31;
	s1 =	sadd.s32 s1, s30  }
0xbd: {  	s0 =	sor.u32 s3, s0;
	s1 =	sshll.u32 s1, $0x11  }
0xbe: {  	s0 =	sor.u32 s1, s0  }
0xbf: {  	s0 =	sadd.s32 $0x8F2B, s0  }
0xc0: {  	[sflag:s0] =	ssyncadd.remote.s32 $0x1  }
0xc1: {  	_ =	sfence.sel $0xFFFF  }
0xc2: {  	[dreg:$0x0] =	wrdreg $0xFFFFFFFF;
	(pc) =	sbr.abs _section_cstart, $3  }
0xc3: {  	[dreg:$0x1] =	wrdreg $0xFFFFFFFF  }
0xc4: {  	_ =	task.clear_ibuf [dreg:s8], $0x2FFFF;
	_ =	strace $0x9FFFFFFF  }
0xc5: {  	(tm) =	ssettm $0x7FFFFFFF  }
tec
execute0_lowered:
.L_overlay_start_1:
0x0: {  	(tag) =	ssettag $0x1  }
0x1: {  	s0 =	rddreg [dreg:$0x0]  }
0x2: {  	s1 =	rddreg [dreg:$0x1]  }
0x3: {  	s2 =	rddreg [dreg:$0x2]  }
0x4: {  	s3 =	rddreg [dreg:$0x3];
	s4 =	simm.s32 $0x0  }
0x5: {  	s5 =	srdreg.scid;
	s10 =	stileid.u32;
	s14 =	simm.s32 $0x28  }
0x6: {  	s15 =	simm.s32 $0x4F00;
	s16 =	simm.s32 $0x6300;
	s18 =	simm.s32 $0x7700  }
0x7: {  	s28 =	simm.s32 $0x5;
	s29 =	simm.s32 $0x4DC8;
	s30 =	simm.s32 $0x4DF0  }
0x8: {  	s31 =	simm.s32 $0x4E18;
	s11 =	simm.s32 $0x0;
	s6 =	sand.u32 $0x1, s5  }
0x9: {  	s7 =	smul.u32 $0x2800, s10;
	s20 =	sshll.u32 s10, $0x1;
	[smem:$0x7FF] =	sst s4  }
0xa: {  	s21 =	smul.u32 $0x50000, s10;
	s26 =	sshll.u32 s10, $0x6;
	s10 =	simm.s32 $0x6  }
0xb: {  	s8 =	smul.u32 $0x28000, s6;
	s5 =	sor.u32 s6, s20;
	_ =	strace $0x80000047  }
0xc: {  	s22 =	ssub.s32 $0x2, s6;
	s12 =	sor.u32 $0x1C06, s26;
	s20 =	simm.s32 $0x8B00  }
0xd: {  	s26 =	simm.s32 $0x4;
	s9 =	smul.u32 $0x2710, s5;
	s5 =	sadd.s32 $0x1400, s2  }
0xe: {  	s24 =	sshrl.u32 s22, $0x1;
	s25 =	sshrl.u32 s21, $0x2;
	s7 =	sadd.s32 s7, s8  }
0xf: {  	s2 =	sadd.s32 s7, s2;
	s23 =	sshrl.u32 s9, $0x3;
	s9 =	ssub.s32 s22, s24  }
0x10: {  	s22 =	simm.s32 $0x9F00;
	s24 =	simm.s32 $0x2;
	s6 =	sadd.s32 s0, s23  }
0x11: {  	s0 =	sadd.s32 s25, s3;
	s8 =	sadd.s32 $0x3C00, s2;
	s9 =	smax.u32 s9, $0x1  }
0x12: {  	s23 =	simm.s32 $0x1;
	s25 =	simm.s32 $0x3;
	s2 =	simm.s32 $0x4E68  }
0x13: {  	s7 =	sadd.s32 $0x9C40, s6;
	s13 =	sshrl.u32 s0, $0x3;
	s0 =	simm.s32 $0x4E40  }
.LBB2_1:
0x14: {  	[tilespmem:s4], [sflag:$0x6] =	stream.linear.gather [hbm4b:s6+s4], $0x2710, $0x38;
	[tilespmem:$0x1F300] =	vst v63  }
0x15: {  	_ =	swait.ge [sflag:s10], $0x2710  }
0x16: {  	[sflag:s10] =	ssyncset.done $0x0  }
0x17: {  	s17 =	simm.s32 $0x2780;
	[sflag:s10] =	ssyncadd.s32 $0xFFFFD8F0  }
0x18: {  	[tilespmem:s17], [sflag:$0x6] =	stream.linear.gather [hbm4b:s7+s4], $0x2710, $0x38;
	[tilespmem:$0x1F300] =	vst v63  }
0x19: {  	_ =	swait.ge [sflag:s10], $0x2710  }
0x1a: {  	[sflag:s10] =	ssyncset.done $0x0  }
0x1b: {  	[sflag:s10] =	ssyncadd.s32 $0xFFFFD8F0  }
0x1c: {  	[spmem:s13], [sflag:s12] =	dma.local [hbm:s5], $0x2800  }
0x1d: {  	_ =	swait.ge [sflag:s10], $0x2800  }
0x1e: {  	[sflag:s10] =	ssyncset.done $0x0  }
0x1f: {  	[sflag:s10] =	ssyncadd.s32 $0xFFFFD800  }
0x20: {  	[bflag:$0x0] =	sbarrier.arrive $0xFFFF  }
0x21: {  	[tilespmem:s15], [sflag:$0x1] =	stream.indirect.gather [hbm4b:s1+s14], $0x80, s4, s14, $0xb8;
	[tilespmem:$0x1F300] =	vst v63  }
0x22: {  	_ = 	snop  }
0x23: {  	[tilespmem:s16], [sflag:$0x2] =	stream.indirect.gather [hbm4b:s1+s14], $0x80, s14, s14, $0xb8;
	[tilespmem:$0x1F300] =	vst v63  }
0x24: {  	s19 =	simm.s32 $0x50  }
0x25: {  	[tilespmem:s18], [sflag:$0x3] =	stream.indirect.gather [hbm4b:s1+s14], $0x80, s19, s14, $0xb8;
	[tilespmem:$0x1F300] =	vst v63  }
0x26: {  	s21 =	simm.s32 $0x78  }
0x27: {  	[tilespmem:s20], [sflag:$0x4] =	stream.indirect.gather [hbm4b:s1+s14], $0x80, s21, s14, $0xb8;
	[tilespmem:$0x1F300] =	vst v63  }
0x28: {  	s19 =	simm.s32 $0xA0  }
0x29: {  	[tilespmem:s22], [sflag:$0x5] =	stream.indirect.gather [hbm4b:s1+s14], $0x80, s19, s14, $0xb8;
	[tilespmem:$0x1F300] =	vst v63  }
0x2a: {  	_ =	swait.ge [sflag:s23], $0x1400  }
0x2b: {  	[sflag:s23] =	ssyncset.done $0x0  }
0x2c: {  	s21 =	simm.s32 $0x2780;
	[sflag:s23] =	ssyncadd.s32 $0xFFFFEC00  }
0x2d: {  	[spmem:s3] =	stream.indirect.scatter.add.f32 [tilespmem:s15], [sflag:$0x6], $0x80, s21, s14, $0xb8;
	[tilespmem:$0x1F300] =	vst v63  }
0x2e: {  	_ =	swait.ge [sflag:s10], $0x1400  }
0x2f: {  	[sflag:s10] =	ssyncset.done $0x0  }
0x30: {  	s19 =	simm.s32 $0xC8;
	[sflag:s10] =	ssyncadd.s32 $0xFFFFEC00  }
0x31: {  	[tilespmem:s15], [sflag:$0x1] =	stream.indirect.gather [hbm4b:s1+s14], $0x80, s19, s14, $0xb8;
	[tilespmem:$0x1F300] =	vst v63  }
0x32: {  	_ =	swait.ge [sflag:s24], $0x1400  }
0x33: {  	[sflag:s24] =	ssyncset.done $0x0  }
0x34: {  	s21 =	simm.s32 $0x27A8;
	[sflag:s24] =	ssyncadd.s32 $0xFFFFEC00  }
0x35: {  	[spmem:s3] =	stream.indirect.scatter.add.f32 [tilespmem:s16], [sflag:$0x6], $0x80, s21, s14, $0xb8;
	[tilespmem:$0x1F300] =	vst v63  }
0x36: {  	_ =	swait.ge [sflag:s10], $0x1400  }
0x37: {  	[sflag:s10] =	ssyncset.done $0x0  }
0x38: {  	s19 =	simm.s32 $0xF0;
	[sflag:s10] =	ssyncadd.s32 $0xFFFFEC00  }
0x39: {  	[tilespmem:s16], [sflag:$0x2] =	stream.indirect.gather [hbm4b:s1+s14], $0x80, s19, s14, $0xb8;
	[tilespmem:$0x1F300] =	vst v63  }
0x3a: {  	_ =	swait.ge [sflag:s25], $0x1400  }
0x3b: {  	[sflag:s25] =	ssyncset.done $0x0  }
0x3c: {  	s21 =	simm.s32 $0x27D0;
	[sflag:s25] =	ssyncadd.s32 $0xFFFFEC00  }
0x3d: {  	[spmem:s3] =	stream.indirect.scatter.add.f32 [tilespmem:s18], [sflag:$0x6], $0x80, s21, s14, $0xb8;
	[tilespmem:$0x1F300] =	vst v63  }
0x3e: {  	_ =	swait.ge [sflag:s10], $0x1400  }
0x3f: {  	[sflag:s10] =	ssyncset.done $0x0  }
0x40: {  	s19 =	simm.s32 $0x118;
	[sflag:s10] =	ssyncadd.s32 $0xFFFFEC00  }
0x41: {  	[tilespmem:s18], [sflag:$0x3] =	stream.indirect.gather [hbm4b:s1+s14], $0x80, s19, s14, $0xb8;
	[tilespmem:$0x1F300] =	vst v63  }
0x42: {  	_ =	swait.ge [sflag:s26], $0x1400  }
0x43: {  	[sflag:s26] =	ssyncset.done $0x0  }
0x44: {  	s21 =	simm.s32 $0x27F8;
	[sflag:s26] =	ssyncadd.s32 $0xFFFFEC00  }
0x45: {  	[spmem:s3] =	stream.indirect.scatter.add.f32 [tilespmem:s20], [sflag:$0x6], $0x80, s21, s14, $0xb8;
	[tilespmem:$0x1F300] =	vst v63  }
0x46: {  	_ =	swait.ge [sflag:s10], $0x1400  }
0x47: {  	[sflag:s10] =	ssyncset.done $0x0  }
0x48: {  	s19 =	simm.s32 $0x140;
	[sflag:s10] =	ssyncadd.s32 $0xFFFFEC00  }
0x49: {  	[tilespmem:s20], [sflag:$0x4] =	stream.indirect.gather [hbm4b:s1+s14], $0x80, s19, s14, $0xb8;
	[tilespmem:$0x1F300] =	vst v63  }
0x4a: {  	_ =	swait.ge [sflag:s28], $0x1400  }
0x4b: {  	[sflag:s28] =	ssyncset.done $0x0  }
0x4c: {  	s21 =	simm.s32 $0x2820;
	[sflag:s28] =	ssyncadd.s32 $0xFFFFEC00  }
0x4d: {  	[spmem:s3] =	stream.indirect.scatter.add.f32 [tilespmem:s22], [sflag:$0x6], $0x80, s21, s14, $0xb8;
	[tilespmem:$0x1F300] =	vst v63  }
0x4e: {  	_ =	swait.ge [sflag:s10], $0x1400  }
0x4f: {  	[sflag:s10] =	ssyncset.done $0x0  }
0x50: {  	s17 =	simm.s32 $0x320;
	s19 =	simm.s32 $0x168;
	[sflag:s10] =	ssyncadd.s32 $0xFFFFEC00  }
.LBB2_2:
0x51: {  	[tilespmem:s22], [sflag:$0x5] =	stream.indirect.gather [hbm4b:s1+s14], $0x80, s19, s14, $0xb8;
	[tilespmem:$0x1F300] =	vst v63  }
0x52: {  	s19 =	smov.u32 s17  }
0x53: {  	p0 =	sne.s32 s17, $0x9600;
	s17 =	sadd.s32 $0x320, s17;
	_ =	swait.ge [sflag:s23], $0x1400  }
0x54: {  	s19 =	sshra.s32 s19, $0x2;
	[sflag:s23] =	ssyncset.done $0x0  }
0x55: {  	s21 =	sadd.s32 $0x2780, s19;
	[sflag:s23] =	ssyncadd.s32 $0xFFFFEC00  }
0x56: {  	[spmem:s3] =	stream.indirect.scatter.add.f32 [tilespmem:s15], [sflag:$0x6], $0x80, s21, s14, $0xb8;
	[tilespmem:$0x1F300] =	vst v63  }
0x57: {  	_ =	swait.ge [sflag:s10], $0x1400  }
0x58: {  	[sflag:s10] =	ssyncset.done $0x0  }
0x59: {  	s21 =	sadd.s32 $0xC8, s19;
	[sflag:s10] =	ssyncadd.s32 $0xFFFFEC00  }
0x5a: {  	[tilespmem:s15], [sflag:$0x1] =	stream.indirect.gather [hbm4b:s1+s14], $0x80, s21, s14, $0xb8;
	[tilespmem:$0x1F300] =	vst v63  }
0x5b: {  	_ =	swait.ge [sflag:s24], $0x1400  }
0x5c: {  	[sflag:s24] =	ssyncset.done $0x0  }
0x5d: {  	s21 =	sadd.s32 $0x27A8, s19;
	[sflag:s24] =	ssyncadd.s32 $0xFFFFEC00  }
0x5e: {  	[spmem:s3] =	stream.indirect.scatter.add.f32 [tilespmem:s16], [sflag:$0x6], $0x80, s21, s14, $0xb8;
	[tilespmem:$0x1F300] =	vst v63  }
0x5f: {  	_ =	swait.ge [sflag:s10], $0x1400  }
0x60: {  	[sflag:s10] =	ssyncset.done $0x0  }
0x61: {  	s21 =	sadd.s32 $0xF0, s19;
	[sflag:s10] =	ssyncadd.s32 $0xFFFFEC00  }
0x62: {  	[tilespmem:s16], [sflag:$0x2] =	stream.indirect.gather [hbm4b:s1+s14], $0x80, s21, s14, $0xb8;
	[tilespmem:$0x1F300] =	vst v63  }
0x63: {  	_ =	swait.ge [sflag:s25], $0x1400  }
0x64: {  	[sflag:s25] =	ssyncset.done $0x0  }
0x65: {  	s21 =	sadd.s32 $0x27D0, s19;
	[sflag:s25] =	ssyncadd.s32 $0xFFFFEC00  }
0x66: {  	[spmem:s3] =	stream.indirect.scatter.add.f32 [tilespmem:s18], [sflag:$0x6], $0x80, s21, s14, $0xb8;
	[tilespmem:$0x1F300] =	vst v63  }
0x67: {  	_ =	swait.ge [sflag:s10], $0x1400  }
0x68: {  	[sflag:s10] =	ssyncset.done $0x0  }
0x69: {  	s21 =	sadd.s32 $0x118, s19;
	[sflag:s10] =	ssyncadd.s32 $0xFFFFEC00  }
0x6a: {  	[tilespmem:s18], [sflag:$0x3] =	stream.indirect.gather [hbm4b:s1+s14], $0x80, s21, s14, $0xb8;
	[tilespmem:$0x1F300] =	vst v63  }
0x6b: {  	_ =	swait.ge [sflag:s26], $0x1400  }
0x6c: {  	[sflag:s26] =	ssyncset.done $0x0  }
0x6d: {  	s21 =	sadd.s32 $0x27F8, s19;
	[sflag:s26] =	ssyncadd.s32 $0xFFFFEC00  }
0x6e: {  	[spmem:s3] =	stream.indirect.scatter.add.f32 [tilespmem:s20], [sflag:$0x6], $0x80, s21, s14, $0xb8;
	[tilespmem:$0x1F300] =	vst v63  }
0x6f: {  	_ =	swait.ge [sflag:s10], $0x1400  }
0x70: {  	[sflag:s10] =	ssyncset.done $0x0  }
0x71: {  	s21 =	sadd.s32 $0x140, s19;
	[sflag:s10] =	ssyncadd.s32 $0xFFFFEC00  }
0x72: {  	[tilespmem:s20], [sflag:$0x4] =	stream.indirect.gather [hbm4b:s1+s14], $0x80, s21, s14, $0xb8;
	[tilespmem:$0x1F300] =	vst v63  }
0x73: {  	_ =	swait.ge [sflag:s28], $0x1400  }
0x74: {  	[sflag:s28] =	ssyncset.done $0x0  }
.Ltmp0:
0x75: {  	s21 =	sadd.s32 $0x2820, s19;
	[sflag:s28] =	ssyncadd.s32 $0xFFFFEC00;
	(pc) =	sbr.rel @p0 .LBB2_2-.Ltmp0, $4  }
0x76: {  	[spmem:s3] =	stream.indirect.scatter.add.f32 [tilespmem:s22], [sflag:$0x6], $0x80, s21, s14, $0xb8;
	[tilespmem:$0x1F300] =	vst v63  }
0x77: {  	_ =	swait.ge [sflag:s10], $0x1400  }
0x78: {  	[sflag:s10] =	ssyncset.done $0x0  }
0x79: {  	s19 =	sadd.s32 $0x168, s19;
	[sflag:s10] =	ssyncadd.s32 $0xFFFFEC00  }
0x7a: {  	[tilespmem:s22], [sflag:$0x5] =	stream.indirect.gather [hbm4b:s1+s14], $0x80, s19, s14, $0xb8;
	[tilespmem:$0x1F300] =	vst v63  }
0x7b: {  	_ =	swait.ge [sflag:s23], $0x1400  }
0x7c: {  	[sflag:s23] =	ssyncset.done $0x0  }
0x7d: {  	[sflag:s23] =	ssyncadd.s32 $0xFFFFEC00  }
0x7e: {  	[spmem:s3] =	stream.indirect.scatter.add.f32 [tilespmem:s15], [sflag:$0x6], $0x80, s29, s14, $0xb8;
	[tilespmem:$0x1F300] =	vst v63  }
0x7f: {  	_ =	swait.ge [sflag:s10], $0x1400  }
0x80: {  	[sflag:s10] =	ssyncset.done $0x0  }
0x81: {  	[sflag:s10] =	ssyncadd.s32 $0xFFFFEC00  }
0x82: {  	_ =	swait.ge [sflag:s24], $0x1400  }
0x83: {  	[sflag:s24] =	ssyncset.done $0x0  }
0x84: {  	[sflag:s24] =	ssyncadd.s32 $0xFFFFEC00  }
0x85: {  	[spmem:s3] =	stream.indirect.scatter.add.f32 [tilespmem:s16], [sflag:$0x6], $0x80, s30, s14, $0xb8;
	[tilespmem:$0x1F300] =	vst v63  }
0x86: {  	_ =	swait.ge [sflag:s10], $0x1400  }
0x87: {  	[sflag:s10] =	ssyncset.done $0x0  }
0x88: {  	[sflag:s10] =	ssyncadd.s32 $0xFFFFEC00  }
0x89: {  	_ =	swait.ge [sflag:s25], $0x1400  }
0x8a: {  	[sflag:s25] =	ssyncset.done $0x0  }
0x8b: {  	[sflag:s25] =	ssyncadd.s32 $0xFFFFEC00  }
0x8c: {  	[spmem:s3] =	stream.indirect.scatter.add.f32 [tilespmem:s18], [sflag:$0x6], $0x80, s31, s14, $0xb8;
	[tilespmem:$0x1F300] =	vst v63  }
0x8d: {  	_ =	swait.ge [sflag:s10], $0x1400  }
0x8e: {  	[sflag:s10] =	ssyncset.done $0x0  }
0x8f: {  	[sflag:s10] =	ssyncadd.s32 $0xFFFFEC00  }
0x90: {  	_ =	swait.ge [sflag:s26], $0x1400  }
0x91: {  	[sflag:s26] =	ssyncset.done $0x0  }
0x92: {  	[sflag:s26] =	ssyncadd.s32 $0xFFFFEC00  }
0x93: {  	[spmem:s3] =	stream.indirect.scatter.add.f32 [tilespmem:s20], [sflag:$0x6], $0x80, s0, s14, $0xb8;
	[tilespmem:$0x1F300] =	vst v63  }
0x94: {  	_ =	swait.ge [sflag:s10], $0x1400  }
0x95: {  	[sflag:s10] =	ssyncset.done $0x0  }
0x96: {  	[sflag:s10] =	ssyncadd.s32 $0xFFFFEC00  }
0x97: {  	_ =	swait.ge [sflag:s28], $0x1400  }
0x98: {  	[sflag:s28] =	ssyncset.done $0x0  }
0x99: {  	[sflag:s28] =	ssyncadd.s32 $0xFFFFEC00  }
0x9a: {  	[spmem:s3] =	stream.indirect.scatter.add.f32 [tilespmem:s22], [sflag:$0x6], $0x80, s2, s14, $0xb8;
	[tilespmem:$0x1F300] =	vst v63  }
0x9b: {  	_ =	swait.ge [sflag:s10], $0x1400  }
0x9c: {  	s11 =	sadd.s32 $0x1, s11;
	[sflag:s10] =	ssyncset.done $0x0  }
0x9d: {  	p0 =	sne.s32 s11, s9;
	[sflag:s10] =	ssyncadd.s32 $0xFFFFEC00  }
.Ltmp1:
0x9e: {  	[bflag:$0x0] =	sbarrier.arrive $0xFFFF;
	(pc) =	sbr.rel @p0 .LBB2_1-.Ltmp1, $4  }
0x9f: {  	[hbm:s8], [sflag:s12] =	dma.local [spmem:s13], $0x2800  }
0xa0: {  	_ =	swait.ge [sflag:s10], $0x2800  }
0xa1: {  	[sflag:s10] =	ssyncset.done $0x0  }
0xa2: {  	[sflag:s10] =	ssyncadd.s32 $0xFFFFD800  }
0xa3: {  	_ =	sfence.sel $0x180000  }
0xa4: {  	[bflag:$0x0] =	sbarrier.arrive $0xFFFF  }
0xa5: {  	_ =	strace $0x90000047  }
0xa6: {  	s0 =	stileid.u32;
	[bflag:$0x2] =	sbarrier.arrive $0xFFFF  }
0xa7: {  	p0 =	sne.s32 s0, $0x0;
	s0 =	rddreg [dreg:$0x4]  }
0xa8: {  	s0 =	sadd.s32 @!p0 $0x100000, s0  }
0xa9: {  	[sflag:s0] =	ssyncadd.tile.s32 @!p0 $0x1;
	_ =	shalt  }
.Lfunc_end2:
_tile_overlayer_lowered:
.L_overlay_start_2:
0xaa: {  	(tag) =	ssettag $0x2  }
0xab: {  	s0 =	rddreg [dreg:$0x0];
	s2 =	stileid.u32  }
0xac: {  	s1 =	rddreg [dreg:$0x1];
	p0 =	sne.s32 s2, $0x0  }
0xad: {  	s3 =	rddreg [dreg:$0x2];
	[bflag:$0x3] =	sbarrier.arrive $0xFFFF;
	s2 =	simm.s32 @!p0 $0x1C06  }
0xae: {  	[timem:s3], [sflag:s2] =	dma.local @!p0 [hbm:s0], s1  }
0xaf: {  	s0 =	simm.s32 @!p0 $0x6  }
0xb0: {  	_ =	swait.ge @!p0 [sflag:s0], s1  }
0xb1: {  	s1 =	ssub.s32 @!p0 $0x0, s1;
	[sflag:s0] =	ssyncset.done @!p0 $0x0  }
0xb2: {  	[sflag:s0] =	ssyncadd.s32 @!p0 s1  }
0xb3: {  	[bflag:$0x3] =	sbarrier.arrive $0xFFFF  }
0xb4: {  	_ =	shalt  }

</sc_bundles>
